<compile_context>
chip_gen: v7x
topology: tpu7x:2x2x1
jax: 0.10.2.dev20260603
libtpu: 0.0.44.dev20260713+nightly
codegen_flags: <defaults>
</compile_context>

<pallas_src>
import functools

import jax
import jax.numpy as jnp
import numpy as np
from jax import lax
from jax.experimental import pallas as pl
from jax.experimental.pallas import tpu as pltpu
from jax.experimental.pallas import tpu_sc as plsc

_BETA = 0.2
_PERM_CACHE = {}


def _perm_indices(batch):
    key = batch
    if key not in _PERM_CACHE:
        cpu = jax.local_devices(backend="cpu")[0]
        with jax.default_device(cpu), jax.ensure_compile_time_eval():
            perm = np.asarray(jax.random.permutation(jax.random.key(1), batch))
        _PERM_CACHE[key] = perm.astype(np.int32)
    return _PERM_CACHE[key]


def _sc_gather(ind_col, pos_col, idx, nw, chunks, chunk):
    mesh = plsc.VectorSubcoreMesh(core_axis_name="c", subcore_axis_name="s")
    nc = 2

    @functools.partial(
        pl.kernel,
        mesh=mesh,
        out_type=[
            jax.ShapeDtypeStruct((nw, chunks, chunk), jnp.float32),
            jax.ShapeDtypeStruct((nw, chunks, chunk), jnp.float32),
        ],
        scratch_types=[
            pltpu.VMEM((chunks, chunk), jnp.int32),
            pltpu.VMEM((chunks, chunk), jnp.float32),
            pltpu.VMEM((chunks, chunk), jnp.float32),
            pltpu.SemaphoreType.DMA,
            pltpu.SemaphoreType.DMA,
        ],
    )
    def gather_kernel(ind_hbm, pos_hbm, idx_hbm, si_hbm, sp_hbm,
                      idx_v, a_v, b_v, sem_a, sem_b):
        wid = lax.axis_index("s") * nc + lax.axis_index("c")
        pltpu.sync_copy(idx_hbm.at[wid], idx_v)
        copies = []
        for j in range(chunks):
            copies.append(
                pltpu.async_copy(ind_hbm.at[idx_v.at[j]], a_v.at[j], sem_a))
            copies.append(
                pltpu.async_copy(pos_hbm.at[idx_v.at[j]], b_v.at[j], sem_b))
        for cp in copies:
            cp.wait()
        pltpu.sync_copy(a_v, si_hbm.at[wid])
        pltpu.sync_copy(b_v, sp_hbm.at[wid])

    return gather_kernel(ind_col, pos_col, idx)


def _tc_body(ind_ref, pos_ref, si_ref, sp_ref, out_ref):
    si = si_ref[...]
    sp = sp_ref[...]
    ind = ind_ref[...]
    pos = pos_ref[...]
    f = jnp.maximum(ind - si, 0.0)
    out_ref[...] = jnp.maximum(sp * f - pos * f + _BETA, 0.0) * f


def _tc_loss(indicator_vectors, positive, si, sp, bb):
    b, c = indicator_vectors.shape
    return pl.pallas_call(
        _tc_body,
        grid=(b // bb,),
        in_specs=[
            pl.BlockSpec((bb, c), lambda i: (i, 0)),
            pl.BlockSpec((bb, c), lambda i: (i, 0)),
            pl.BlockSpec((bb, 1), lambda i: (i, 0)),
            pl.BlockSpec((bb, 1), lambda i: (i, 0)),
        ],
        out_specs=pl.BlockSpec((bb, c), lambda i: (i, 0)),
        out_shape=jax.ShapeDtypeStruct((b, c), jnp.float32),
    )(indicator_vectors, positive, si, sp)


def kernel(indicator_vectors, positive):
    b, c = positive.shape
    nw, chunk = 32, 128
    chunks = b // (nw * chunk)
    idx = jnp.asarray(_perm_indices(b).reshape(nw, chunks, chunk))
    si, sp = _sc_gather(
        indicator_vectors[:, 0], positive[:, 0], idx, nw, chunks, chunk)
    si = si.reshape(b, 1)
    sp = sp.reshape(b, 1)
    return _tc_loss(indicator_vectors, positive, si, sp, bb=1024)

# --- scband reference (transcript-rebuilt; emitter-appended) ---
"""Pipeline reference for scband-counter-loss-61100204753676 (READ-ONLY COPY).

The authoritative reference and input builder live on the scoring server;
editing this copy changes nothing except your own understanding.
"""

import jax, jax.numpy as jnp
import numpy as np

BETA = 0.2
B = 16384
C = 1024

def setup_inputs(seed: int = 0) -> dict:
    key = jax.random.key(seed)
    k1, k2 = jax.random.split(key)
    indicator_vectors = jax.random.uniform(k1, (B, C), dtype=jnp.float32)
    positive = jax.random.uniform(k2, (B, C), dtype=jnp.float32)
    return {"indicator_vectors": indicator_vectors, "positive": positive}

def reference(indicator_vectors, positive):
    batch = positive.shape[0]
    # torch.randperm replaced with deterministic jax permutation
    shuffled_indices = jax.random.permutation(jax.random.key(1), batch)
    # torch.gather(x, 0, idx.unsqueeze(-1)) with idx shape [B] yields shape [B, 1],
    # gathering only column 0: x[idx[i], 0]
    shuffled_positive = positive[shuffled_indices, 0][:, None]
    shuffled_indicator_vectors = indicator_vectors[shuffled_indices, 0][:, None]
    img_only_feats = jax.nn.relu(indicator_vectors - shuffled_indicator_vectors)
    count_loss = jax.nn.relu(shuffled_positive * img_only_feats - positive * img_only_feats + BETA) * img_only_feats
    return count_loss

if __name__ == "__main__":
    import jax
    _d = setup_inputs()
    print(jax.jit(kernel)(*tuple(_d.values())))

</pallas_src>

<mosaic_0001>
#map = affine_map<(d0, d1) -> (0)>
#map1 = affine_map<(d0, d1) -> (0, 0, 0)>
module attributes {stable_mosaic.version = 14 : i64} {
  func.func @gather_kernel(%arg0: i32, %arg1: i32, %arg2: memref<16384xf32, #tpu.memory_space<hbm>>, %arg3: memref<16384xf32, #tpu.memory_space<hbm>>, %arg4: memref<32x4x128xi32, #tpu.memory_space<hbm>>, %arg5: memref<32x4x128xf32, #tpu.memory_space<hbm>>, %arg6: memref<32x4x128xf32, #tpu.memory_space<hbm>>, %arg7: memref<4x128xi32, #tpu.memory_space<vmem>>, %arg8: memref<4x128xf32, #tpu.memory_space<vmem>>, %arg9: memref<4x128xf32, #tpu.memory_space<vmem>>, %arg10: memref<!tpu.dma_semaphore, #tpu.memory_space<semaphore_mem>>, %arg11: memref<!tpu.dma_semaphore, #tpu.memory_space<semaphore_mem>>) attributes {dimension_semantics = [#tpu.dimension_semantics<core_parallel>, #tpu.dimension_semantics<subcore_parallel>], iteration_bounds = array<i64: 2, 16>, scalar_prefetch = 0 : i64, scratch_operands = 5 : i64, tpu.core_type = #tpu.core_type<sc_vector_subcore>, window_params = [{transform_indices = #map}, {transform_indices = #map}, {transform_indices = #map1}, {transform_indices = #map1}, {transform_indices = #map1}]} {
    %mul3A = arith.constant 2 : i32
    %mul3A_0 = arith.muli %arg1, %mul3A : i32
    %add3A = arith.addi %mul3A_0, %arg0 : i32
    "tpu.region"() ({
      %run_scoped3A = tpu.sem_alloc : memref<!tpu.dma_semaphore, #tpu.memory_space<semaphore_mem>>
      %dma_start3A_159 = arith.constant 0 : i32
      %dma_start3A_160 = arith.constant 0 : i32
      %dma_start3A_161 = tpu.memref_slice %arg4[%add3A, %dma_start3A_159, %dma_start3A_160] : memref<32x4x128xi32, #tpu.memory_space<hbm>> -> memref<1x4x128xi32, #tpu.memory_space<hbm>>
      %dma_start3A_162 = tpu.memref_squeeze %dma_start3A_161 : memref<1x4x128xi32, #tpu.memory_space<hbm>> -> memref<4x128xi32, #tpu.memory_space<hbm>>
      %dma_start3A_163 = arith.constant 0 : i32
      %dma_start3A_164 = arith.constant 0 : i32
      %dma_start3A_165 = tpu.memref_slice %arg4[%add3A, %dma_start3A_163, %dma_start3A_164] : memref<32x4x128xi32, #tpu.memory_space<hbm>> -> memref<1x4x128xi32, #tpu.memory_space<hbm>>
      %dma_start3A_166 = tpu.memref_squeeze %dma_start3A_165 : memref<1x4x128xi32, #tpu.memory_space<hbm>> -> memref<4x128xi32, #tpu.memory_space<hbm>>
      tpu.enqueue_dma source(%dma_start3A_166 : memref<4x128xi32, #tpu.memory_space<hbm>>) target(%arg7 : memref<4x128xi32, #tpu.memory_space<vmem>>) target_semaphore(%run_scoped3A : memref<!tpu.dma_semaphore, #tpu.memory_space<semaphore_mem>>)
      %dma_wait3A_167 = arith.constant 0 : i32
      %dma_wait3A_168 = arith.constant 0 : i32
      %dma_wait3A_169 = tpu.memref_slice %arg4[%add3A, %dma_wait3A_167, %dma_wait3A_168] : memref<32x4x128xi32, #tpu.memory_space<hbm>> -> memref<1x4x128xi32, #tpu.memory_space<hbm>>
      %dma_wait3A_170 = tpu.memref_squeeze %dma_wait3A_169 : memref<1x4x128xi32, #tpu.memory_space<hbm>> -> memref<4x128xi32, #tpu.memory_space<hbm>>
      %dma_wait3A_171 = arith.constant 0 : i32
      %dma_wait3A_172 = arith.constant 0 : i32
      %dma_wait3A_173 = tpu.memref_slice %arg4[%add3A, %dma_wait3A_171, %dma_wait3A_172] : memref<32x4x128xi32, #tpu.memory_space<hbm>> -> memref<1x4x128xi32, #tpu.memory_space<hbm>>
      %dma_wait3A_174 = tpu.memref_squeeze %dma_wait3A_173 : memref<1x4x128xi32, #tpu.memory_space<hbm>> -> memref<4x128xi32, #tpu.memory_space<hbm>>
      tpu.wait_dma2 semaphore(%run_scoped3A : memref<!tpu.dma_semaphore, #tpu.memory_space<semaphore_mem>>) src(%dma_wait3A_174 : memref<4x128xi32, #tpu.memory_space<hbm>>) dst(%arg7 : memref<4x128xi32, #tpu.memory_space<vmem>>)
      tpu.yield
    }) : () -> ()
    %dma_start3A = arith.constant 0 : i32
    %dma_start3A_1 = arith.constant 0 : i32
    %dma_start3A_2 = arith.constant 0 : i32
    %dma_start3A_3 = tpu.memref_slice %arg8[%dma_start3A_1, %dma_start3A_2] : memref<4x128xf32, #tpu.memory_space<vmem>> -> memref<1x128xf32, #tpu.memory_space<vmem>>
    %dma_start3A_4 = tpu.memref_squeeze %dma_start3A_3 : memref<1x128xf32, #tpu.memory_space<vmem>> -> memref<128xf32, #tpu.memory_space<vmem>>
    %dma_start3A_5 = arith.constant 0 : i32
    %dma_start3A_6 = tpu.memref_slice %arg7[%dma_start3A, %dma_start3A_5] : memref<4x128xi32, #tpu.memory_space<vmem>> -> memref<1x128xi32, #tpu.memory_space<vmem>>
    %dma_start3A_7 = tpu.memref_squeeze %dma_start3A_6 : memref<1x128xi32, #tpu.memory_space<vmem>> -> memref<128xi32, #tpu.memory_space<vmem>>
    %dma_start3A_8 = arith.constant 0 : i32
    %dma_start3A_9 = tpu.memref_slice %arg2[%dma_start3A_8] : memref<16384xf32, #tpu.memory_space<hbm>> -> memref<16384xf32, #tpu.memory_space<hbm>>
    tpu.enqueue_indirect_dma source(%dma_start3A_9 : memref<16384xf32, #tpu.memory_space<hbm>>) target(%dma_start3A_4 : memref<128xf32, #tpu.memory_space<vmem>>) offsets(%dma_start3A_7 : memref<128xi32, #tpu.memory_space<vmem>>) semaphore(%arg10 : memref<!tpu.dma_semaphore, #tpu.memory_space<semaphore_mem>>)
    %dma_start3A_10 = arith.constant 0 : i32
    %dma_start3A_11 = arith.constant 0 : i32
    %dma_start3A_12 = arith.constant 0 : i32
    %dma_start3A_13 = tpu.memref_slice %arg9[%dma_start3A_11, %dma_start3A_12] : memref<4x128xf32, #tpu.memory_space<vmem>> -> memref<1x128xf32, #tpu.memory_space<vmem>>
    %dma_start3A_14 = tpu.memref_squeeze %dma_start3A_13 : memref<1x128xf32, #tpu.memory_space<vmem>> -> memref<128xf32, #tpu.memory_space<vmem>>
    %dma_start3A_15 = arith.constant 0 : i32
    %dma_start3A_16 = tpu.memref_slice %arg7[%dma_start3A_10, %dma_start3A_15] : memref<4x128xi32, #tpu.memory_space<vmem>> -> memref<1x128xi32, #tpu.memory_space<vmem>>
    %dma_start3A_17 = tpu.memref_squeeze %dma_start3A_16 : memref<1x128xi32, #tpu.memory_space<vmem>> -> memref<128xi32, #tpu.memory_space<vmem>>
    %dma_start3A_18 = arith.constant 0 : i32
    %dma_start3A_19 = tpu.memref_slice %arg3[%dma_start3A_18] : memref<16384xf32, #tpu.memory_space<hbm>> -> memref<16384xf32, #tpu.memory_space<hbm>>
    tpu.enqueue_indirect_dma source(%dma_start3A_19 : memref<16384xf32, #tpu.memory_space<hbm>>) target(%dma_start3A_14 : memref<128xf32, #tpu.memory_space<vmem>>) offsets(%dma_start3A_17 : memref<128xi32, #tpu.memory_space<vmem>>) semaphore(%arg11 : memref<!tpu.dma_semaphore, #tpu.memory_space<semaphore_mem>>)
    %dma_start3A_20 = arith.constant 1 : i32
    %dma_start3A_21 = arith.constant 1 : i32
    %dma_start3A_22 = arith.constant 0 : i32
    %dma_start3A_23 = tpu.memref_slice %arg8[%dma_start3A_21, %dma_start3A_22] : memref<4x128xf32, #tpu.memory_space<vmem>> -> memref<1x128xf32, #tpu.memory_space<vmem>>
    %dma_start3A_24 = tpu.memref_squeeze %dma_start3A_23 : memref<1x128xf32, #tpu.memory_space<vmem>> -> memref<128xf32, #tpu.memory_space<vmem>>
    %dma_start3A_25 = arith.constant 0 : i32
    %dma_start3A_26 = tpu.memref_slice %arg7[%dma_start3A_20, %dma_start3A_25] : memref<4x128xi32, #tpu.memory_space<vmem>> -> memref<1x128xi32, #tpu.memory_space<vmem>>
    %dma_start3A_27 = tpu.memref_squeeze %dma_start3A_26 : memref<1x128xi32, #tpu.memory_space<vmem>> -> memref<128xi32, #tpu.memory_space<vmem>>
    %dma_start3A_28 = arith.constant 0 : i32
    %dma_start3A_29 = tpu.memref_slice %arg2[%dma_start3A_28] : memref<16384xf32, #tpu.memory_space<hbm>> -> memref<16384xf32, #tpu.memory_space<hbm>>
    tpu.enqueue_indirect_dma source(%dma_start3A_29 : memref<16384xf32, #tpu.memory_space<hbm>>) target(%dma_start3A_24 : memref<128xf32, #tpu.memory_space<vmem>>) offsets(%dma_start3A_27 : memref<128xi32, #tpu.memory_space<vmem>>) semaphore(%arg10 : memref<!tpu.dma_semaphore, #tpu.memory_space<semaphore_mem>>)
    %dma_start3A_30 = arith.constant 1 : i32
    %dma_start3A_31 = arith.constant 1 : i32
    %dma_start3A_32 = arith.constant 0 : i32
    %dma_start3A_33 = tpu.memref_slice %arg9[%dma_start3A_31, %dma_start3A_32] : memref<4x128xf32, #tpu.memory_space<vmem>> -> memref<1x128xf32, #tpu.memory_space<vmem>>
    %dma_start3A_34 = tpu.memref_squeeze %dma_start3A_33 : memref<1x128xf32, #tpu.memory_space<vmem>> -> memref<128xf32, #tpu.memory_space<vmem>>
    %dma_start3A_35 = arith.constant 0 : i32
    %dma_start3A_36 = tpu.memref_slice %arg7[%dma_start3A_30, %dma_start3A_35] : memref<4x128xi32, #tpu.memory_space<vmem>> -> memref<1x128xi32, #tpu.memory_space<vmem>>
    %dma_start3A_37 = tpu.memref_squeeze %dma_start3A_36 : memref<1x128xi32, #tpu.memory_space<vmem>> -> memref<128xi32, #tpu.memory_space<vmem>>
    %dma_start3A_38 = arith.constant 0 : i32
    %dma_start3A_39 = tpu.memref_slice %arg3[%dma_start3A_38] : memref<16384xf32, #tpu.memory_space<hbm>> -> memref<16384xf32, #tpu.memory_space<hbm>>
    tpu.enqueue_indirect_dma source(%dma_start3A_39 : memref<16384xf32, #tpu.memory_space<hbm>>) target(%dma_start3A_34 : memref<128xf32, #tpu.memory_space<vmem>>) offsets(%dma_start3A_37 : memref<128xi32, #tpu.memory_space<vmem>>) semaphore(%arg11 : memref<!tpu.dma_semaphore, #tpu.memory_space<semaphore_mem>>)
    %dma_start3A_40 = arith.constant 2 : i32
    %dma_start3A_41 = arith.constant 2 : i32
    %dma_start3A_42 = arith.constant 0 : i32
    %dma_start3A_43 = tpu.memref_slice %arg8[%dma_start3A_41, %dma_start3A_42] : memref<4x128xf32, #tpu.memory_space<vmem>> -> memref<1x128xf32, #tpu.memory_space<vmem>>
    %dma_start3A_44 = tpu.memref_squeeze %dma_start3A_43 : memref<1x128xf32, #tpu.memory_space<vmem>> -> memref<128xf32, #tpu.memory_space<vmem>>
    %dma_start3A_45 = arith.constant 0 : i32
    %dma_start3A_46 = tpu.memref_slice %arg7[%dma_start3A_40, %dma_start3A_45] : memref<4x128xi32, #tpu.memory_space<vmem>> -> memref<1x128xi32, #tpu.memory_space<vmem>>
    %dma_start3A_47 = tpu.memref_squeeze %dma_start3A_46 : memref<1x128xi32, #tpu.memory_space<vmem>> -> memref<128xi32, #tpu.memory_space<vmem>>
    %dma_start3A_48 = arith.constant 0 : i32
    %dma_start3A_49 = tpu.memref_slice %arg2[%dma_start3A_48] : memref<16384xf32, #tpu.memory_space<hbm>> -> memref<16384xf32, #tpu.memory_space<hbm>>
    tpu.enqueue_indirect_dma source(%dma_start3A_49 : memref<16384xf32, #tpu.memory_space<hbm>>) target(%dma_start3A_44 : memref<128xf32, #tpu.memory_space<vmem>>) offsets(%dma_start3A_47 : memref<128xi32, #tpu.memory_space<vmem>>) semaphore(%arg10 : memref<!tpu.dma_semaphore, #tpu.memory_space<semaphore_mem>>)
    %dma_start3A_50 = arith.constant 2 : i32
    %dma_start3A_51 = arith.constant 2 : i32
    %dma_start3A_52 = arith.constant 0 : i32
    %dma_start3A_53 = tpu.memref_slice %arg9[%dma_start3A_51, %dma_start3A_52] : memref<4x128xf32, #tpu.memory_space<vmem>> -> memref<1x128xf32, #tpu.memory_space<vmem>>
    %dma_start3A_54 = tpu.memref_squeeze %dma_start3A_53 : memref<1x128xf32, #tpu.memory_space<vmem>> -> memref<128xf32, #tpu.memory_space<vmem>>
    %dma_start3A_55 = arith.constant 0 : i32
    %dma_start3A_56 = tpu.memref_slice %arg7[%dma_start3A_50, %dma_start3A_55] : memref<4x128xi32, #tpu.memory_space<vmem>> -> memref<1x128xi32, #tpu.memory_space<vmem>>
    %dma_start3A_57 = tpu.memref_squeeze %dma_start3A_56 : memref<1x128xi32, #tpu.memory_space<vmem>> -> memref<128xi32, #tpu.memory_space<vmem>>
    %dma_start3A_58 = arith.constant 0 : i32
    %dma_start3A_59 = tpu.memref_slice %arg3[%dma_start3A_58] : memref<16384xf32, #tpu.memory_space<hbm>> -> memref<16384xf32, #tpu.memory_space<hbm>>
    tpu.enqueue_indirect_dma source(%dma_start3A_59 : memref<16384xf32, #tpu.memory_space<hbm>>) target(%dma_start3A_54 : memref<128xf32, #tpu.memory_space<vmem>>) offsets(%dma_start3A_57 : memref<128xi32, #tpu.memory_space<vmem>>) semaphore(%arg11 : memref<!tpu.dma_semaphore, #tpu.memory_space<semaphore_mem>>)
    %dma_start3A_60 = arith.constant 3 : i32
    %dma_start3A_61 = arith.constant 3 : i32
    %dma_start3A_62 = arith.constant 0 : i32
    %dma_start3A_63 = tpu.memref_slice %arg8[%dma_start3A_61, %dma_start3A_62] : memref<4x128xf32, #tpu.memory_space<vmem>> -> memref<1x128xf32, #tpu.memory_space<vmem>>
    %dma_start3A_64 = tpu.memref_squeeze %dma_start3A_63 : memref<1x128xf32, #tpu.memory_space<vmem>> -> memref<128xf32, #tpu.memory_space<vmem>>
    %dma_start3A_65 = arith.constant 0 : i32
    %dma_start3A_66 = tpu.memref_slice %arg7[%dma_start3A_60, %dma_start3A_65] : memref<4x128xi32, #tpu.memory_space<vmem>> -> memref<1x128xi32, #tpu.memory_space<vmem>>
    %dma_start3A_67 = tpu.memref_squeeze %dma_start3A_66 : memref<1x128xi32, #tpu.memory_space<vmem>> -> memref<128xi32, #tpu.memory_space<vmem>>
    %dma_start3A_68 = arith.constant 0 : i32
    %dma_start3A_69 = tpu.memref_slice %arg2[%dma_start3A_68] : memref<16384xf32, #tpu.memory_space<hbm>> -> memref<16384xf32, #tpu.memory_space<hbm>>
    tpu.enqueue_indirect_dma source(%dma_start3A_69 : memref<16384xf32, #tpu.memory_space<hbm>>) target(%dma_start3A_64 : memref<128xf32, #tpu.memory_space<vmem>>) offsets(%dma_start3A_67 : memref<128xi32, #tpu.memory_space<vmem>>) semaphore(%arg10 : memref<!tpu.dma_semaphore, #tpu.memory_space<semaphore_mem>>)
    %dma_start3A_70 = arith.constant 3 : i32
    %dma_start3A_71 = arith.constant 3 : i32
    %dma_start3A_72 = arith.constant 0 : i32
    %dma_start3A_73 = tpu.memref_slice %arg9[%dma_start3A_71, %dma_start3A_72] : memref<4x128xf32, #tpu.memory_space<vmem>> -> memref<1x128xf32, #tpu.memory_space<vmem>>
    %dma_start3A_74 = tpu.memref_squeeze %dma_start3A_73 : memref<1x128xf32, #tpu.memory_space<vmem>> -> memref<128xf32, #tpu.memory_space<vmem>>
    %dma_start3A_75 = arith.constant 0 : i32
    %dma_start3A_76 = tpu.memref_slice %arg7[%dma_start3A_70, %dma_start3A_75] : memref<4x128xi32, #tpu.memory_space<vmem>> -> memref<1x128xi32, #tpu.memory_space<vmem>>
    %dma_start3A_77 = tpu.memref_squeeze %dma_start3A_76 : memref<1x128xi32, #tpu.memory_space<vmem>> -> memref<128xi32, #tpu.memory_space<vmem>>
    %dma_start3A_78 = arith.constant 0 : i32
    %dma_start3A_79 = tpu.memref_slice %arg3[%dma_start3A_78] : memref<16384xf32, #tpu.memory_space<hbm>> -> memref<16384xf32, #tpu.memory_space<hbm>>
    tpu.enqueue_indirect_dma source(%dma_start3A_79 : memref<16384xf32, #tpu.memory_space<hbm>>) target(%dma_start3A_74 : memref<128xf32, #tpu.memory_space<vmem>>) offsets(%dma_start3A_77 : memref<128xi32, #tpu.memory_space<vmem>>) semaphore(%arg11 : memref<!tpu.dma_semaphore, #tpu.memory_space<semaphore_mem>>)
    %dma_wait3A = arith.constant 0 : i32
    %dma_wait3A_80 = arith.constant 0 : i32
    %dma_wait3A_81 = arith.constant 0 : i32
    %dma_wait3A_82 = tpu.memref_slice %arg8[%dma_wait3A_80, %dma_wait3A_81] : memref<4x128xf32, #tpu.memory_space<vmem>> -> memref<1x128xf32, #tpu.memory_space<vmem>>
    %dma_wait3A_83 = tpu.memref_squeeze %dma_wait3A_82 : memref<1x128xf32, #tpu.memory_space<vmem>> -> memref<128xf32, #tpu.memory_space<vmem>>
    %dma_wait3A_84 = arith.constant 0 : i32
    %dma_wait3A_85 = tpu.memref_slice %arg7[%dma_wait3A, %dma_wait3A_84] : memref<4x128xi32, #tpu.memory_space<vmem>> -> memref<1x128xi32, #tpu.memory_space<vmem>>
    %dma_wait3A_86 = tpu.memref_squeeze %dma_wait3A_85 : memref<1x128xi32, #tpu.memory_space<vmem>> -> memref<128xi32, #tpu.memory_space<vmem>>
    %dma_wait3A_87 = arith.constant 0 : i32
    %dma_wait3A_88 = tpu.memref_slice %arg2[%dma_wait3A_87] : memref<16384xf32, #tpu.memory_space<hbm>> -> memref<16384xf32, #tpu.memory_space<hbm>>
    tpu.wait_indirect_dma semaphore(%arg10 : memref<!tpu.dma_semaphore, #tpu.memory_space<semaphore_mem>>) src(%dma_wait3A_88 : memref<16384xf32, #tpu.memory_space<hbm>>) dst(%dma_wait3A_83 : memref<128xf32, #tpu.memory_space<vmem>>)
    %dma_wait3A_89 = arith.constant 0 : i32
    %dma_wait3A_90 = arith.constant 0 : i32
    %dma_wait3A_91 = arith.constant 0 : i32
    %dma_wait3A_92 = tpu.memref_slice %arg9[%dma_wait3A_90, %dma_wait3A_91] : memref<4x128xf32, #tpu.memory_space<vmem>> -> memref<1x128xf32, #tpu.memory_space<vmem>>
    %dma_wait3A_93 = tpu.memref_squeeze %dma_wait3A_92 : memref<1x128xf32, #tpu.memory_space<vmem>> -> memref<128xf32, #tpu.memory_space<vmem>>
    %dma_wait3A_94 = arith.constant 0 : i32
    %dma_wait3A_95 = tpu.memref_slice %arg7[%dma_wait3A_89, %dma_wait3A_94] : memref<4x128xi32, #tpu.memory_space<vmem>> -> memref<1x128xi32, #tpu.memory_space<vmem>>
    %dma_wait3A_96 = tpu.memref_squeeze %dma_wait3A_95 : memref<1x128xi32, #tpu.memory_space<vmem>> -> memref<128xi32, #tpu.memory_space<vmem>>
    %dma_wait3A_97 = arith.constant 0 : i32
    %dma_wait3A_98 = tpu.memref_slice %arg3[%dma_wait3A_97] : memref<16384xf32, #tpu.memory_space<hbm>> -> memref<16384xf32, #tpu.memory_space<hbm>>
    tpu.wait_indirect_dma semaphore(%arg11 : memref<!tpu.dma_semaphore, #tpu.memory_space<semaphore_mem>>) src(%dma_wait3A_98 : memref<16384xf32, #tpu.memory_space<hbm>>) dst(%dma_wait3A_93 : memref<128xf32, #tpu.memory_space<vmem>>)
    %dma_wait3A_99 = arith.constant 1 : i32
    %dma_wait3A_100 = arith.constant 1 : i32
    %dma_wait3A_101 = arith.constant 0 : i32
    %dma_wait3A_102 = tpu.memref_slice %arg8[%dma_wait3A_100, %dma_wait3A_101] : memref<4x128xf32, #tpu.memory_space<vmem>> -> memref<1x128xf32, #tpu.memory_space<vmem>>
    %dma_wait3A_103 = tpu.memref_squeeze %dma_wait3A_102 : memref<1x128xf32, #tpu.memory_space<vmem>> -> memref<128xf32, #tpu.memory_space<vmem>>
    %dma_wait3A_104 = arith.constant 0 : i32
    %dma_wait3A_105 = tpu.memref_slice %arg7[%dma_wait3A_99, %dma_wait3A_104] : memref<4x128xi32, #tpu.memory_space<vmem>> -> memref<1x128xi32, #tpu.memory_space<vmem>>
    %dma_wait3A_106 = tpu.memref_squeeze %dma_wait3A_105 : memref<1x128xi32, #tpu.memory_space<vmem>> -> memref<128xi32, #tpu.memory_space<vmem>>
    %dma_wait3A_107 = arith.constant 0 : i32
    %dma_wait3A_108 = tpu.memref_slice %arg2[%dma_wait3A_107] : memref<16384xf32, #tpu.memory_space<hbm>> -> memref<16384xf32, #tpu.memory_space<hbm>>
    tpu.wait_indirect_dma semaphore(%arg10 : memref<!tpu.dma_semaphore, #tpu.memory_space<semaphore_mem>>) src(%dma_wait3A_108 : memref<16384xf32, #tpu.memory_space<hbm>>) dst(%dma_wait3A_103 : memref<128xf32, #tpu.memory_space<vmem>>)
    %dma_wait3A_109 = arith.constant 1 : i32
    %dma_wait3A_110 = arith.constant 1 : i32
    %dma_wait3A_111 = arith.constant 0 : i32
    %dma_wait3A_112 = tpu.memref_slice %arg9[%dma_wait3A_110, %dma_wait3A_111] : memref<4x128xf32, #tpu.memory_space<vmem>> -> memref<1x128xf32, #tpu.memory_space<vmem>>
    %dma_wait3A_113 = tpu.memref_squeeze %dma_wait3A_112 : memref<1x128xf32, #tpu.memory_space<vmem>> -> memref<128xf32, #tpu.memory_space<vmem>>
    %dma_wait3A_114 = arith.constant 0 : i32
    %dma_wait3A_115 = tpu.memref_slice %arg7[%dma_wait3A_109, %dma_wait3A_114] : memref<4x128xi32, #tpu.memory_space<vmem>> -> memref<1x128xi32, #tpu.memory_space<vmem>>
    %dma_wait3A_116 = tpu.memref_squeeze %dma_wait3A_115 : memref<1x128xi32, #tpu.memory_space<vmem>> -> memref<128xi32, #tpu.memory_space<vmem>>
    %dma_wait3A_117 = arith.constant 0 : i32
    %dma_wait3A_118 = tpu.memref_slice %arg3[%dma_wait3A_117] : memref<16384xf32, #tpu.memory_space<hbm>> -> memref<16384xf32, #tpu.memory_space<hbm>>
    tpu.wait_indirect_dma semaphore(%arg11 : memref<!tpu.dma_semaphore, #tpu.memory_space<semaphore_mem>>) src(%dma_wait3A_118 : memref<16384xf32, #tpu.memory_space<hbm>>) dst(%dma_wait3A_113 : memref<128xf32, #tpu.memory_space<vmem>>)
    %dma_wait3A_119 = arith.constant 2 : i32
    %dma_wait3A_120 = arith.constant 2 : i32
    %dma_wait3A_121 = arith.constant 0 : i32
    %dma_wait3A_122 = tpu.memref_slice %arg8[%dma_wait3A_120, %dma_wait3A_121] : memref<4x128xf32, #tpu.memory_space<vmem>> -> memref<1x128xf32, #tpu.memory_space<vmem>>
    %dma_wait3A_123 = tpu.memref_squeeze %dma_wait3A_122 : memref<1x128xf32, #tpu.memory_space<vmem>> -> memref<128xf32, #tpu.memory_space<vmem>>
    %dma_wait3A_124 = arith.constant 0 : i32
    %dma_wait3A_125 = tpu.memref_slice %arg7[%dma_wait3A_119, %dma_wait3A_124] : memref<4x128xi32, #tpu.memory_space<vmem>> -> memref<1x128xi32, #tpu.memory_space<vmem>>
    %dma_wait3A_126 = tpu.memref_squeeze %dma_wait3A_125 : memref<1x128xi32, #tpu.memory_space<vmem>> -> memref<128xi32, #tpu.memory_space<vmem>>
    %dma_wait3A_127 = arith.constant 0 : i32
    %dma_wait3A_128 = tpu.memref_slice %arg2[%dma_wait3A_127] : memref<16384xf32, #tpu.memory_space<hbm>> -> memref<16384xf32, #tpu.memory_space<hbm>>
    tpu.wait_indirect_dma semaphore(%arg10 : memref<!tpu.dma_semaphore, #tpu.memory_space<semaphore_mem>>) src(%dma_wait3A_128 : memref<16384xf32, #tpu.memory_space<hbm>>) dst(%dma_wait3A_123 : memref<128xf32, #tpu.memory_space<vmem>>)
    %dma_wait3A_129 = arith.constant 2 : i32
    %dma_wait3A_130 = arith.constant 2 : i32
    %dma_wait3A_131 = arith.constant 0 : i32
    %dma_wait3A_132 = tpu.memref_slice %arg9[%dma_wait3A_130, %dma_wait3A_131] : memref<4x128xf32, #tpu.memory_space<vmem>> -> memref<1x128xf32, #tpu.memory_space<vmem>>
    %dma_wait3A_133 = tpu.memref_squeeze %dma_wait3A_132 : memref<1x128xf32, #tpu.memory_space<vmem>> -> memref<128xf32, #tpu.memory_space<vmem>>
    %dma_wait3A_134 = arith.constant 0 : i32
    %dma_wait3A_135 = tpu.memref_slice %arg7[%dma_wait3A_129, %dma_wait3A_134] : memref<4x128xi32, #tpu.memory_space<vmem>> -> memref<1x128xi32, #tpu.memory_space<vmem>>
    %dma_wait3A_136 = tpu.memref_squeeze %dma_wait3A_135 : memref<1x128xi32, #tpu.memory_space<vmem>> -> memref<128xi32, #tpu.memory_space<vmem>>
    %dma_wait3A_137 = arith.constant 0 : i32
    %dma_wait3A_138 = tpu.memref_slice %arg3[%dma_wait3A_137] : memref<16384xf32, #tpu.memory_space<hbm>> -> memref<16384xf32, #tpu.memory_space<hbm>>
    tpu.wait_indirect_dma semaphore(%arg11 : memref<!tpu.dma_semaphore, #tpu.memory_space<semaphore_mem>>) src(%dma_wait3A_138 : memref<16384xf32, #tpu.memory_space<hbm>>) dst(%dma_wait3A_133 : memref<128xf32, #tpu.memory_space<vmem>>)
    %dma_wait3A_139 = arith.constant 3 : i32
    %dma_wait3A_140 = arith.constant 3 : i32
    %dma_wait3A_141 = arith.constant 0 : i32
    %dma_wait3A_142 = tpu.memref_slice %arg8[%dma_wait3A_140, %dma_wait3A_141] : memref<4x128xf32, #tpu.memory_space<vmem>> -> memref<1x128xf32, #tpu.memory_space<vmem>>
    %dma_wait3A_143 = tpu.memref_squeeze %dma_wait3A_142 : memref<1x128xf32, #tpu.memory_space<vmem>> -> memref<128xf32, #tpu.memory_space<vmem>>
    %dma_wait3A_144 = arith.constant 0 : i32
    %dma_wait3A_145 = tpu.memref_slice %arg7[%dma_wait3A_139, %dma_wait3A_144] : memref<4x128xi32, #tpu.memory_space<vmem>> -> memref<1x128xi32, #tpu.memory_space<vmem>>
    %dma_wait3A_146 = tpu.memref_squeeze %dma_wait3A_145 : memref<1x128xi32, #tpu.memory_space<vmem>> -> memref<128xi32, #tpu.memory_space<vmem>>
    %dma_wait3A_147 = arith.constant 0 : i32
    %dma_wait3A_148 = tpu.memref_slice %arg2[%dma_wait3A_147] : memref<16384xf32, #tpu.memory_space<hbm>> -> memref<16384xf32, #tpu.memory_space<hbm>>
    tpu.wait_indirect_dma semaphore(%arg10 : memref<!tpu.dma_semaphore, #tpu.memory_space<semaphore_mem>>) src(%dma_wait3A_148 : memref<16384xf32, #tpu.memory_space<hbm>>) dst(%dma_wait3A_143 : memref<128xf32, #tpu.memory_space<vmem>>)
    %dma_wait3A_149 = arith.constant 3 : i32
    %dma_wait3A_150 = arith.constant 3 : i32
    %dma_wait3A_151 = arith.constant 0 : i32
    %dma_wait3A_152 = tpu.memref_slice %arg9[%dma_wait3A_150, %dma_wait3A_151] : memref<4x128xf32, #tpu.memory_space<vmem>> -> memref<1x128xf32, #tpu.memory_space<vmem>>
    %dma_wait3A_153 = tpu.memref_squeeze %dma_wait3A_152 : memref<1x128xf32, #tpu.memory_space<vmem>> -> memref<128xf32, #tpu.memory_space<vmem>>
    %dma_wait3A_154 = arith.constant 0 : i32
    %dma_wait3A_155 = tpu.memref_slice %arg7[%dma_wait3A_149, %dma_wait3A_154] : memref<4x128xi32, #tpu.memory_space<vmem>> -> memref<1x128xi32, #tpu.memory_space<vmem>>
    %dma_wait3A_156 = tpu.memref_squeeze %dma_wait3A_155 : memref<1x128xi32, #tpu.memory_space<vmem>> -> memref<128xi32, #tpu.memory_space<vmem>>
    %dma_wait3A_157 = arith.constant 0 : i32
    %dma_wait3A_158 = tpu.memref_slice %arg3[%dma_wait3A_157] : memref<16384xf32, #tpu.memory_space<hbm>> -> memref<16384xf32, #tpu.memory_space<hbm>>
    tpu.wait_indirect_dma semaphore(%arg11 : memref<!tpu.dma_semaphore, #tpu.memory_space<semaphore_mem>>) src(%dma_wait3A_158 : memref<16384xf32, #tpu.memory_space<hbm>>) dst(%dma_wait3A_153 : memref<128xf32, #tpu.memory_space<vmem>>)
    "tpu.region"() ({
      %run_scoped3A = tpu.sem_alloc : memref<!tpu.dma_semaphore, #tpu.memory_space<semaphore_mem>>
      %dma_start3A_159 = arith.constant 0 : i32
      %dma_start3A_160 = arith.constant 0 : i32
      %dma_start3A_161 = tpu.memref_slice %arg5[%add3A, %dma_start3A_159, %dma_start3A_160] : memref<32x4x128xf32, #tpu.memory_space<hbm>> -> memref<1x4x128xf32, #tpu.memory_space<hbm>>
      %dma_start3A_162 = tpu.memref_squeeze %dma_start3A_161 : memref<1x4x128xf32, #tpu.memory_space<hbm>> -> memref<4x128xf32, #tpu.memory_space<hbm>>
      %dma_start3A_163 = arith.constant 0 : i32
      %dma_start3A_164 = arith.constant 0 : i32
      %dma_start3A_165 = tpu.memref_slice %arg5[%add3A, %dma_start3A_163, %dma_start3A_164] : memref<32x4x128xf32, #tpu.memory_space<hbm>> -> memref<1x4x128xf32, #tpu.memory_space<hbm>>
      %dma_start3A_166 = tpu.memref_squeeze %dma_start3A_165 : memref<1x4x128xf32, #tpu.memory_space<hbm>> -> memref<4x128xf32, #tpu.memory_space<hbm>>
      tpu.enqueue_dma source(%arg8 : memref<4x128xf32, #tpu.memory_space<vmem>>) target(%dma_start3A_166 : memref<4x128xf32, #tpu.memory_space<hbm>>) target_semaphore(%run_scoped3A : memref<!tpu.dma_semaphore, #tpu.memory_space<semaphore_mem>>)
      %dma_wait3A_167 = arith.constant 0 : i32
      %dma_wait3A_168 = arith.constant 0 : i32
      %dma_wait3A_169 = tpu.memref_slice %arg5[%add3A, %dma_wait3A_167, %dma_wait3A_168] : memref<32x4x128xf32, #tpu.memory_space<hbm>> -> memref<1x4x128xf32, #tpu.memory_space<hbm>>
      %dma_wait3A_170 = tpu.memref_squeeze %dma_wait3A_169 : memref<1x4x128xf32, #tpu.memory_space<hbm>> -> memref<4x128xf32, #tpu.memory_space<hbm>>
      %dma_wait3A_171 = arith.constant 0 : i32
      %dma_wait3A_172 = arith.constant 0 : i32
      %dma_wait3A_173 = tpu.memref_slice %arg5[%add3A, %dma_wait3A_171, %dma_wait3A_172] : memref<32x4x128xf32, #tpu.memory_space<hbm>> -> memref<1x4x128xf32, #tpu.memory_space<hbm>>
      %dma_wait3A_174 = tpu.memref_squeeze %dma_wait3A_173 : memref<1x4x128xf32, #tpu.memory_space<hbm>> -> memref<4x128xf32, #tpu.memory_space<hbm>>
      tpu.wait_dma2 semaphore(%run_scoped3A : memref<!tpu.dma_semaphore, #tpu.memory_space<semaphore_mem>>) src(%arg8 : memref<4x128xf32, #tpu.memory_space<vmem>>) dst(%dma_wait3A_174 : memref<4x128xf32, #tpu.memory_space<hbm>>)
      tpu.yield
    }) : () -> ()
    "tpu.region"() ({
      %run_scoped3A = tpu.sem_alloc : memref<!tpu.dma_semaphore, #tpu.memory_space<semaphore_mem>>
      %dma_start3A_159 = arith.constant 0 : i32
      %dma_start3A_160 = arith.constant 0 : i32
      %dma_start3A_161 = tpu.memref_slice %arg6[%add3A, %dma_start3A_159, %dma_start3A_160] : memref<32x4x128xf32, #tpu.memory_space<hbm>> -> memref<1x4x128xf32, #tpu.memory_space<hbm>>
      %dma_start3A_162 = tpu.memref_squeeze %dma_start3A_161 : memref<1x4x128xf32, #tpu.memory_space<hbm>> -> memref<4x128xf32, #tpu.memory_space<hbm>>
      %dma_start3A_163 = arith.constant 0 : i32
      %dma_start3A_164 = arith.constant 0 : i32
      %dma_start3A_165 = tpu.memref_slice %arg6[%add3A, %dma_start3A_163, %dma_start3A_164] : memref<32x4x128xf32, #tpu.memory_space<hbm>> -> memref<1x4x128xf32, #tpu.memory_space<hbm>>
      %dma_start3A_166 = tpu.memref_squeeze %dma_start3A_165 : memref<1x4x128xf32, #tpu.memory_space<hbm>> -> memref<4x128xf32, #tpu.memory_space<hbm>>
      tpu.enqueue_dma source(%arg9 : memref<4x128xf32, #tpu.memory_space<vmem>>) target(%dma_start3A_166 : memref<4x128xf32, #tpu.memory_space<hbm>>) target_semaphore(%run_scoped3A : memref<!tpu.dma_semaphore, #tpu.memory_space<semaphore_mem>>)
      %dma_wait3A_167 = arith.constant 0 : i32
      %dma_wait3A_168 = arith.constant 0 : i32
      %dma_wait3A_169 = tpu.memref_slice %arg6[%add3A, %dma_wait3A_167, %dma_wait3A_168] : memref<32x4x128xf32, #tpu.memory_space<hbm>> -> memref<1x4x128xf32, #tpu.memory_space<hbm>>
      %dma_wait3A_170 = tpu.memref_squeeze %dma_wait3A_169 : memref<1x4x128xf32, #tpu.memory_space<hbm>> -> memref<4x128xf32, #tpu.memory_space<hbm>>
      %dma_wait3A_171 = arith.constant 0 : i32
      %dma_wait3A_172 = arith.constant 0 : i32
      %dma_wait3A_173 = tpu.memref_slice %arg6[%add3A, %dma_wait3A_171, %dma_wait3A_172] : memref<32x4x128xf32, #tpu.memory_space<hbm>> -> memref<1x4x128xf32, #tpu.memory_space<hbm>>
      %dma_wait3A_174 = tpu.memref_squeeze %dma_wait3A_173 : memref<1x4x128xf32, #tpu.memory_space<hbm>> -> memref<4x128xf32, #tpu.memory_space<hbm>>
      tpu.wait_dma2 semaphore(%run_scoped3A : memref<!tpu.dma_semaphore, #tpu.memory_space<semaphore_mem>>) src(%arg9 : memref<4x128xf32, #tpu.memory_space<vmem>>) dst(%dma_wait3A_174 : memref<4x128xf32, #tpu.memory_space<hbm>>)
      tpu.yield
    }) : () -> ()
    return
  }
}

module attributes {stable_mosaic.version = 14 : i64} {
  func.func @_tc_body(%arg0: i32, %arg1: memref<1024x1024xf32, #tpu.memory_space<vmem>>, %arg2: memref<1024x1024xf32, #tpu.memory_space<vmem>>, %arg3: memref<1024x1xf32, #tpu.memory_space<vmem>>, %arg4: memref<1024x1xf32, #tpu.memory_space<vmem>>, %arg5: memref<1024x1024xf32, #tpu.memory_space<vmem>>) attributes {dimension_semantics = [#tpu.dimension_semantics<arbitrary>], iteration_bounds = array<i64: 16>, scalar_prefetch = 0 : i64, scratch_operands = 0 : i64, tpu.core_type = #tpu.core_type<tc>, window_params = [{transform_indices = @transform_0, window_bounds = array<i64: 1024, 1024>}, {transform_indices = @transform_1, window_bounds = array<i64: 1024, 1024>}, {transform_indices = @transform_2, window_bounds = array<i64: 1024, 1>}, {transform_indices = @transform_3, window_bounds = array<i64: 1024, 1>}, {transform_indices = @transform_4, window_bounds = array<i64: 1024, 1024>}]} {
    %get3A = arith.constant 0 : index
    %get3A_0 = arith.constant 0 : index
    %get3A_1 = vector.load %arg3[%get3A, %get3A_0] : memref<1024x1xf32, #tpu.memory_space<vmem>>, vector<1024x1xf32>
    %get3A_2 = arith.constant 0 : index
    %get3A_3 = arith.constant 0 : index
    %get3A_4 = vector.load %arg4[%get3A_2, %get3A_3] : memref<1024x1xf32, #tpu.memory_space<vmem>>, vector<1024x1xf32>
    %get3A_5 = arith.constant 0 : index
    %get3A_6 = arith.constant 0 : index
    %get3A_7 = vector.load %arg1[%get3A_5, %get3A_6] : memref<1024x1024xf32, #tpu.memory_space<vmem>>, vector<1024x1024xf32>
    %get3A_8 = arith.constant 0 : index
    %get3A_9 = arith.constant 0 : index
    %get3A_10 = vector.load %arg2[%get3A_8, %get3A_9] : memref<1024x1024xf32, #tpu.memory_space<vmem>>, vector<1024x1024xf32>
    %sub3A = vector.broadcast %get3A_1 : vector<1024x1xf32> to vector<1024x1024xf32>
    %sub3A_11 = arith.subf %get3A_7, %sub3A : vector<1024x1024xf32>
    %max3A = arith.constant 0.000000e+00 : f32
    %max3A_12 = vector.broadcast %max3A : f32 to vector<1024x1024xf32>
    %max3A_13 = arith.maximumf %sub3A_11, %max3A_12 : vector<1024x1024xf32>
    %mul3A = vector.broadcast %get3A_4 : vector<1024x1xf32> to vector<1024x1024xf32>
    %mul3A_14 = arith.mulf %mul3A, %max3A_13 : vector<1024x1024xf32>
    %mul3A_15 = arith.mulf %get3A_10, %max3A_13 : vector<1024x1024xf32>
    %sub3A_16 = arith.subf %mul3A_14, %mul3A_15 : vector<1024x1024xf32>
    %add3A = arith.constant 2.000000e-01 : f32
    %add3A_17 = vector.broadcast %add3A : f32 to vector<1024x1024xf32>
    %add3A_18 = arith.addf %sub3A_16, %add3A_17 : vector<1024x1024xf32>
    %max3A_19 = arith.constant 0.000000e+00 : f32
    %max3A_20 = vector.broadcast %max3A_19 : f32 to vector<1024x1024xf32>
    %max3A_21 = arith.maximumf %add3A_18, %max3A_20 : vector<1024x1024xf32>
    %mul3A_22 = arith.mulf %max3A_21, %max3A_13 : vector<1024x1024xf32>
    %swap3A = arith.constant 0 : index
    %swap3A_23 = arith.constant 0 : index
    %swap3A_24 = vector.load %arg5[%swap3A, %swap3A_23] : memref<1024x1024xf32, #tpu.memory_space<vmem>>, vector<1024x1024xf32>
    tpu.vector_store %arg5[%swap3A, %swap3A_23], %mul3A_22 {strides = array<i32>} : memref<1024x1024xf32, #tpu.memory_space<vmem>>, vector<1024x1024xf32>,
    return
  }
  func.func @transform_0(%arg0: i32) -> (i32, i32) {
    %c0_i32 = arith.constant 0 : i32
    %c0_i32_0 = arith.constant 0 : i32
    return %arg0, %c0_i32 : i32, i32
  }
  func.func @transform_1(%arg0: i32) -> (i32, i32) {
    %c0_i32 = arith.constant 0 : i32
    %c0_i32_0 = arith.constant 0 : i32
    return %arg0, %c0_i32 : i32, i32
  }
  func.func @transform_2(%arg0: i32) -> (i32, i32) {
    %c0_i32 = arith.constant 0 : i32
    %c0_i32_0 = arith.constant 0 : i32
    return %arg0, %c0_i32 : i32, i32
  }
  func.func @transform_3(%arg0: i32) -> (i32, i32) {
    %c0_i32 = arith.constant 0 : i32
    %c0_i32_0 = arith.constant 0 : i32
    return %arg0, %c0_i32 : i32, i32
  }
  func.func @transform_4(%arg0: i32) -> (i32, i32) {
    %c0_i32 = arith.constant 0 : i32
    %c0_i32_0 = arith.constant 0 : i32
    return %arg0, %c0_i32 : i32, i32
  }
}

</mosaic_0001>

<sc_bundles>
// kernel: kernel.4.cloned.1.call-start
scs
__scs_entry_jumppad:
0x0: {  	(pc) =	sbr.rel $0x88, $3  }
0x1: {  	(tag) =	ssettag $0x0;
	lr =	simm.s32 $0x1  }
0x2: {  	[smem:$0x3F9F] =	sst lr;
	_ =	strace $0xD0000000  }
0x3: {  	_ = 	snop  }
0x4: {  	_ = 	snop  }
0x5: {  	_ = 	snop  }
0x6: {  	_ = 	snop  }
0x7: {  	_ = 	snop  }
__scs_overlays_trampoline_lowered:
0x8: {  	[smem:$0x3FAE] =	sst s0  }
0x9: {  	[smem:$0x3FAF] =	sst s1  }
0xa: {  	[smem:$0x3FB0] =	sst s2  }
0xb: {  	[smem:$0x3FB1] =	sst s3  }
0xc: {  	[smem:$0x3FB2] =	sst s4  }
0xd: {  	[smem:$0x3FB3] =	sst s5  }
0xe: {  	[smem:$0x3FB4] =	sst s6  }
0xf: {  	[smem:$0x3FB5] =	sst s7  }
0x10: {  	[smem:$0x3FB6] =	sst s8  }
0x11: {  	[smem:$0x3FB7] =	sst s9;
	s0 =	simm.s32 @!p0 $0x0  }
0x12: {  	s1 =	sld [smem:$0x3F9D];
	s0 =	simm.s32 @p0 $0x1  }
0x13: {  	[smem:$0x3FB8] =	sst s0;
	s0 =	simm.s32 @!p1 $0x0  }
0x14: {  	s2 =	sld [smem:$0x3F9C];
	s0 =	simm.s32 @p1 $0x1  }
0x15: {  	[smem:$0x3FB9] =	sst s0;
	s0 =	simm.s32 @!p2 $0x0  }
0x16: {  	s3 =	sld [smem:$0x3FDB];
	s0 =	simm.s32 @p2 $0x1  }
0x17: {  	s4 =	simm.s32 $0x1BF5;
	[smem:$0x3FBB] =	sst s0  }
0x18: {  	s0 =	sld [smem:$0x3F9E];
	_ =	swait.ge [sflag:s4], $0x0  }
0x19: {  	s7 =	sld [smem:$0x3F9F]  }
0x1a: {  	s8 =	sadd.s32 $0xFFFFE003, lr  }
0x1b: {  	s9 =	sadd.s32 $0xFFFFFEF7, lr;
	s5 =	simm.s32 $0xFFFFFFFF;
	p2 =	slt.u32 s8, $0xFFFFF086  }
0x1c: {  	p1 =	slt.u32 s9, $0xF7A;
	s5 =	simm.s32 @!p2 $0x0  }
0x1d: {  	s5 =	simm.s32 @p1 $0x1;
	p0 =	seq.s32 s7, s2  }
0x1e: {  	s7 =	smul.u32 @!p0 $0xF7A, s2;
	p2 =	seq.s32 @!p0 s5, $0x0  }
0x1f: {  	s9 =	smul.u32 $0xF7A, s1;
	s8 =	simm.s32 @!p0 $0x1BF5;
	p2 =	por !p2, p0  }
0x20: {  	[sflag:s8] =	ssyncset.s32 @!p0 $0xFFFFF086;
	s6 =	sadd.s32 @!p0 s3, s7;
	s7 =	simm.s32 @!p0 $0x108  }
0x21: {  	s3 =	sadd.s32 s3, s9;
	s6 =	sadd.s32 @!p0 $0x88, s6;
	s7 =	simm.s32 @p2 $0x1082  }
0x22: {  	[simem:s7], [sflag:s8] =	dma.local @!p0 [hbm:s6], $0xF7A  }
0x23: {  	s9 =	sor.u32 $0xD0000000, s2;
	s6 =	simm.s32 $0x108;
	_ =	swait.ge @!p0 [sflag:s8], $0x0  }
0x24: {  	s3 =	sadd.s32 $0x88, s3;
	s6 =	simm.s32 @!p1 $0x1082;
	[sflag:s4] =	ssyncset.s32 $0xFFFFF086  }
0x25: {  	[simem:s6], [sflag:s4] =	dma.local [hbm:s3], $0xF7A  }
0x26: {  	[smem:$0x3F9F] =	sst s1;
	(tag) =	ssettag s2;
	_ =	strace s9  }
0x27: {  	s1 =	sld [smem:$0x3FAF]  }
0x28: {  	s2 =	sld [smem:$0x3FB0]  }
0x29: {  	s4 =	sld [smem:$0x3FB2]  }
0x2a: {  	p0 =	seq.s32 s5, $0x0;
	s5 =	sld [smem:$0x3FB3]  }
0x2b: {  	s6 =	sld [smem:$0x3FB4]  }
0x2c: {  	s7 =	sld [smem:$0x3FB5]  }
0x2d: {  	s3 =	simm.s32 $0x108;
	s8 =	sld [smem:$0x3FB6]  }
0x2e: {  	s3 =	simm.s32 @!p0 $0x1082;
	s9 =	sld [smem:$0x3FB7]  }
0x2f: {  	lr =	sadd.s32 s0, s3;
	s0 =	sld [smem:$0x3FAE]  }
0x30: {  	s3 =	sld [smem:$0x3FB1]  }
0x31: {  	[smem:$0x3FBA] =	sst s10  }
0x32: {  	s10 =	sld [smem:$0x3FB8];
	_ =	sdelay $0x3  }
0x33: {  	p0 =	seq.s32 s10, $0x1;
	s10 =	sld [smem:$0x3FBA];
	_ =	sdelay $0x3  }
0x34: {  	[smem:$0x3FBA] =	sst s10  }
0x35: {  	s10 =	sld [smem:$0x3FB9];
	_ =	sdelay $0x3  }
0x36: {  	p1 =	seq.s32 s10, $0x1;
	s10 =	sld [smem:$0x3FBA];
	_ =	sdelay $0x3  }
0x37: {  	[smem:$0x3FBA] =	sst s10  }
0x38: {  	s10 =	sld [smem:$0x3FBB]  }
0x39: {  	_ = 	snop;
	(pc) =	sbr.ind lr, $3  }
0x3a: {  	_ = 	snop  }
0x3b: {  	_ = 	snop  }
0x3c: {  	p2 =	seq.s32 s10, $0x1;
	s10 =	sld [smem:$0x3FBA]  }
0x3d: {  	_ =	shalt  }
0x3e: {  	_ =	shalt  }
0x3f: {  	_ =	shalt  }
0x40: {  	_ =	shalt  }
0x41: {  	_ =	shalt  }
0x42: {  	_ =	shalt  }
0x43: {  	_ =	shalt  }
0x44: {  	_ =	shalt  }
0x45: {  	_ =	shalt  }
0x46: {  	_ =	shalt  }
0x47: {  	_ =	shalt  }
0x48: {  	_ =	shalt  }
0x49: {  	_ =	shalt  }
0x4a: {  	_ =	shalt  }
0x4b: {  	_ =	shalt  }
0x4c: {  	_ =	shalt  }
0x4d: {  	_ =	shalt  }
0x4e: {  	_ =	shalt  }
0x4f: {  	_ =	shalt  }
0x50: {  	_ =	shalt  }
0x51: {  	_ =	shalt  }
0x52: {  	_ =	shalt  }
0x53: {  	_ =	shalt  }
0x54: {  	_ =	shalt  }
0x55: {  	_ =	shalt  }
0x56: {  	_ =	shalt  }
0x57: {  	_ =	shalt  }
0x58: {  	_ =	shalt  }
0x59: {  	_ =	shalt  }
0x5a: {  	_ =	shalt  }
0x5b: {  	_ =	shalt  }
0x5c: {  	_ =	shalt  }
0x5d: {  	_ =	shalt  }
0x5e: {  	_ =	shalt  }
0x5f: {  	_ =	shalt  }
0x60: {  	_ =	shalt  }
0x61: {  	_ =	shalt  }
0x62: {  	_ =	shalt  }
0x63: {  	_ =	shalt  }
0x64: {  	_ =	shalt  }
0x65: {  	_ =	shalt  }
0x66: {  	_ =	shalt  }
0x67: {  	_ =	shalt  }
0x68: {  	_ =	shalt  }
0x69: {  	_ =	shalt  }
0x6a: {  	_ =	shalt  }
0x6b: {  	_ =	shalt  }
0x6c: {  	_ =	shalt  }
0x6d: {  	_ =	shalt  }
0x6e: {  	_ =	shalt  }
0x6f: {  	_ =	shalt  }
0x70: {  	_ =	shalt  }
0x71: {  	_ =	shalt  }
0x72: {  	_ =	shalt  }
0x73: {  	_ =	shalt  }
0x74: {  	_ =	shalt  }
0x75: {  	_ =	shalt  }
0x76: {  	_ =	shalt  }
0x77: {  	_ =	shalt  }
0x78: {  	_ =	shalt  }
0x79: {  	_ =	shalt  }
0x7a: {  	_ =	shalt  }
0x7b: {  	_ =	shalt  }
0x7c: {  	_ =	shalt  }
0x7d: {  	_ =	shalt  }
0x7e: {  	_ =	shalt  }
0x7f: {  	_ =	shalt  }
0x80: {  	_ =	shalt  }
0x81: {  	_ =	shalt  }
0x82: {  	_ =	shalt  }
0x83: {  	_ =	shalt  }
0x84: {  	_ =	shalt  }
0x85: {  	_ =	shalt  }
0x86: {  	_ =	shalt  }
0x87: {  	_ =	shalt  }
.Lfunc_end0:
.L_simem_size_0:
called_computation_lowered:
.L_overlay_start_0:
0x88: {  	s2 =	sld [smem:$0x3FD9]  }
0x89: {  	s3 =	sld [smem:$0x3FFE];
	_ =	sdelay $0x1  }
0x8a: {  	s1 =	srdreg.scid  }
0x8b: {  	s0 =	sand.u32 $0x1, s1  }
0x8c: {  	s17 =	sshll.u32 s0, $0xA;
	s2 =	sadd.s32 s3, s2  }
0x8d: {  	s2 =	sadd.s32 s2, s17  }
0x8e: {  	[smem:$0x3FC6] =	sst s2  }
0x8f: {  	_ = 	snop  }
0x90: {  	s2 =	sld [smem:$0x3FD0];
	(tm) =	ssettm $0x1  }
0x91: {  	s18 =	sld [smem:$0x3FFB];
	_ =	sdelay $0x3  }
0x92: {  	_ =	strace s18  }
0x93: {  	s3 =	sld [smem:$0x3FFC];
	_ =	sdelay $0x3  }
0x94: {  	_ =	strace s3  }
0x95: {  	s3 =	sld [smem:$0x3FFD];
	_ =	sdelay $0x3  }
0x96: {  	_ =	strace s3  }
0x97: {  	_ =	strace $0x8FFFFFFF  }
0x98: {  	s19 =	sld [smem:$0x3FDB];
	_ =	sdelay $0x1  }
0x99: {  	s4 =	simm.s32 $_scs_section_size  }
0x9a: {  	s5 =	simm.s32 $_size__tile_overlayer_lowered;
	s6 =	simm.s32 $_tile_overlayer_lowered  }
0x9b: {  	s22 =	simm.s32 $0x1BFF;
	s21 =	sshll.u32 s6, $0x1;
	s3 =	sadd.s32 s4, s19  }
0x9c: {  	s7 =	simm.s32 $0x0;
	s20 =	sshll.u32 s5, $0x1;
	s5 =	sadd.s32 s21, s3  }
0x9d: {  	[timem:s7], [sflag:s22] =	dma.local [hbm:s5], s20  }
0x9e: {  	_ =	swait.ge [sflag:s22], s20  }
0x9f: {  	s4 =	ssub.s32 $0x0, s20;
	[sflag:s22] =	ssyncset.done $0x0  }
0xa0: {  	[sflag:s22] =	ssyncadd.s32 s4;
	_ =	sdelay $0x1  }
0xa1: {  	s23 =	simm.s32 $0x1B8B  }
0xa2: {  	_ =	swait.ge [sflag:s23], $0x1  }
0xa3: {  	[sflag:s23] =	ssyncset.done $0x0  }
0xa4: {  	s25 =	simm.s32 $0x1B8E;
	s24 =	sld [smem:$0x3FFE];
	[sflag:s23] =	ssyncadd.s32 $0xFFFFFFFF  }
0xa5: {  	s26 =	simm.s32 $execute0_lowered;
	[smem:$0x3FD2] =	sst s25  }
0xa6: {  	s5 =	sshll.u32 s26, $0x1;
	_ =	strace $0x80000046;
	[dreg:$0x1] =	wrdreg $0xFFFFFFFF  }
0xa7: {  	s28 =	simm.s32 $_size_execute0_lowered;
	s3 =	sadd.s32 s3, s5;
	[dreg:$0x0] =	wrdreg $0x0  }
0xa8: {  	s5 =	sshll.u32 s28, $0x1;
	[dreg:$0x2] =	wrdreg s3  }
0xa9: {  	[dreg:$0x3] =	wrdreg s5  }
0xaa: {  	[dreg:$0x4] =	wrdreg $0xC0  }
0xab: {  	_ =	task [dreg:s7], $0x5FFFF  }
0xac: {  	[dreg:$0x1] =	wrdreg $0xFFFFFFFF  }
0xad: {  	[dreg:$0x0] =	wrdreg $0x60  }
0xae: {  	[dreg:$0x2] =	wrdreg s24  }
0xaf: {  	[dreg:$0x3] =	wrdreg s2  }
0xb0: {  	[dreg:$0x4] =	wrdreg $0x9  }
0xb1: {  	_ =	task.clear_ibuf [dreg:s7], $0x5FFFF;
	_ =	strace $0x90000046  }
0xb2: {  	s29 =	simm.s32 $0x9;
	_ =	strace $0x80000048  }
0xb3: {  	_ =	swait.ge [sflag:s29], $0x1  }
0xb4: {  	[sflag:s29] =	ssyncadd.s32 $0xFFFFFFFF  }
0xb5: {  	_ =	strace $0x90000048  }
0xb6: {  	_ =	sfence  }
0xb7: {  	s30 =	sld [smem:$0x0];
	_ =	sdelay $0x2  }
0xb8: {  	s31 =	sshll.u32 s1, $0xD;
	s1 =	sshrl.u32 s1, $0x2  }
0xb9: {  	s3 =	sand.u32 $0x4000, s31;
	s1 =	sadd.s32 s1, s30  }
0xba: {  	s0 =	sor.u32 s3, s0;
	s1 =	sshll.u32 s1, $0x11  }
0xbb: {  	s0 =	sor.u32 s1, s0  }
0xbc: {  	s0 =	sadd.s32 $0x8F2B, s0  }
0xbd: {  	[sflag:s0] =	ssyncadd.remote.s32 $0x1  }
0xbe: {  	_ =	sfence.sel $0xFFFF  }
0xbf: {  	[dreg:$0x0] =	wrdreg $0xFFFFFFFF;
	(pc) =	sbr.abs _section_cstart, $3  }
0xc0: {  	[dreg:$0x1] =	wrdreg $0xFFFFFFFF  }
0xc1: {  	_ =	task.clear_ibuf [dreg:s7], $0x2FFFF;
	_ =	strace $0x9FFFFFFF  }
0xc2: {  	(tm) =	ssettm $0x7FFFFFFF  }
0xc3: {  	_ =	shalt  }
tec
execute0_lowered:
.L_overlay_start_1:
0x0: {  	(tag) =	ssettag $0x1  }
0x1: {  	s1 =	srdreg.scid  }
0x2: {  	s2 =	rddreg [dreg:$0x0];
	s0 =	stileid.u32;
	s20 =	sand.u32 $0x1, s1  }
0x3: {  	s3 =	rddreg [dreg:$0x1];
	s5 =	sshll.u32 s0, $0x7;
	s6 =	sshll.u32 s20, $0x6  }
0x4: {  	s4 =	simm.s32 $0x0;
	s1 =	rddreg [dreg:$0x2];
	s5 =	sor.u32 s6, s5  }
0x5: {  	[smem:$0x7FF] =	sst s4;
	s21 =	sadd.s32 s5, s2  }
0x6: {  	_ =	strace $0x80000047;
	s5 =	simm.s32 $0x3;
	s6 =	sadd.s32 $0x800, s21  }
0x7: {  	[tilespmem:s4], [sflag:$0x3] =	stream.linear.gather [hbm4b:s6+s4], $0x200, $0x38;
	[tilespmem:$0x600] =	vst v63  }
0x8: {  	_ =	swait.ge [sflag:s5], $0x200  }
0x9: {  	[sflag:s5] =	ssyncset.done $0x0  }
0xa: {  	s7 =	simm.s32 $0x80;
	s8 =	simm.s32 $0x200;
	[sflag:s5] =	ssyncadd.s32 $0xFFFFFE00  }
0xb: {  	[tilespmem:s8], [sflag:$0x1] =	stream.indirect.gather [hbm4b:s2+s7], $0x1, s4, s7, $0xb8;
	[tilespmem:$0x600] =	vst v63  }
0xc: {  	s9 =	simm.s32 $0x400  }
0xd: {  	[tilespmem:s9], [sflag:$0x2] =	stream.indirect.gather [hbm4b:s3+s7], $0x1, s4, s7, $0xb8;
	[tilespmem:$0x600] =	vst v63  }
0xe: {  	s10 =	simm.s32 $0x280  }
0xf: {  	[tilespmem:s10], [sflag:$0x1] =	stream.indirect.gather [hbm4b:s2+s7], $0x1, s7, s7, $0xb8;
	[tilespmem:$0x600] =	vst v63  }
0x10: {  	s11 =	simm.s32 $0x480  }
0x11: {  	[tilespmem:s11], [sflag:$0x2] =	stream.indirect.gather [hbm4b:s3+s7], $0x1, s7, s7, $0xb8;
	[tilespmem:$0x600] =	vst v63  }
0x12: {  	s12 =	simm.s32 $0x100;
	s13 =	simm.s32 $0x300  }
0x13: {  	[tilespmem:s13], [sflag:$0x1] =	stream.indirect.gather [hbm4b:s2+s7], $0x1, s12, s7, $0xb8;
	[tilespmem:$0x600] =	vst v63  }
0x14: {  	s14 =	simm.s32 $0x500  }
0x15: {  	[tilespmem:s14], [sflag:$0x2] =	stream.indirect.gather [hbm4b:s3+s7], $0x1, s12, s7, $0xb8;
	[tilespmem:$0x600] =	vst v63  }
0x16: {  	s15 =	simm.s32 $0x180;
	s16 =	simm.s32 $0x380  }
0x17: {  	[tilespmem:s16], [sflag:$0x1] =	stream.indirect.gather [hbm4b:s2+s7], $0x1, s15, s7, $0xb8;
	[tilespmem:$0x600] =	vst v63  }
0x18: {  	s17 =	simm.s32 $0x580;
	s18 =	simm.s32 $0x1  }
0x19: {  	[tilespmem:s17], [sflag:$0x2] =	stream.indirect.gather [hbm4b:s3+s7], $0x1, s15, s7, $0xb8;
	[tilespmem:$0x600] =	vst v63  }
0x1a: {  	_ =	swait.ge [sflag:s18], $0x80  }
0x1b: {  	[sflag:s18] =	ssyncset.done $0x0  }
0x1c: {  	s19 =	simm.s32 $0x2;
	[sflag:s18] =	ssyncadd.s32 $0xFFFFFF80  }
0x1d: {  	_ =	swait.ge [sflag:s19], $0x80  }
0x1e: {  	[sflag:s19] =	ssyncset.done $0x0  }
0x1f: {  	[sflag:s19] =	ssyncadd.s32 $0xFFFFFF80  }
0x20: {  	_ =	swait.ge [sflag:s18], $0x80  }
0x21: {  	[sflag:s18] =	ssyncset.done $0x0  }
0x22: {  	[sflag:s18] =	ssyncadd.s32 $0xFFFFFF80  }
0x23: {  	_ =	swait.ge [sflag:s19], $0x80  }
0x24: {  	[sflag:s19] =	ssyncset.done $0x0  }
0x25: {  	[sflag:s19] =	ssyncadd.s32 $0xFFFFFF80  }
0x26: {  	_ =	swait.ge [sflag:s18], $0x80  }
0x27: {  	[sflag:s18] =	ssyncset.done $0x0  }
0x28: {  	[sflag:s18] =	ssyncadd.s32 $0xFFFFFF80  }
0x29: {  	_ =	swait.ge [sflag:s19], $0x80  }
0x2a: {  	[sflag:s19] =	ssyncset.done $0x0  }
0x2b: {  	[sflag:s19] =	ssyncadd.s32 $0xFFFFFF80  }
0x2c: {  	_ =	swait.ge [sflag:s18], $0x80  }
0x2d: {  	[sflag:s18] =	ssyncset.done $0x0  }
0x2e: {  	s22 =	ssub.s32 $0x2, s20;
	[sflag:s18] =	ssyncadd.s32 $0xFFFFFF80  }
0x2f: {  	s23 =	sshrl.u32 s22, $0x1;
	_ =	swait.ge [sflag:s19], $0x80  }
0x30: {  	s22 =	ssub.s32 s22, s23;
	[sflag:s19] =	ssyncset.done $0x0  }
0x31: {  	s20 =	sadd.s32 $0x1800, s21;
	s22 =	smax.u32 s22, $0x1;
	[sflag:s19] =	ssyncadd.s32 $0xFFFFFF80  }
0x32: {  	[hbm4b:s20+s4] =	stream.linear.scatter [tilespmem:s8], [sflag:$0x3], $0x200, $0x38;
	[tilespmem:$0x600] =	vst v63  }
0x33: {  	p0 =	sne.s32 s22, $0x1;
	_ =	swait.ge [sflag:s5], $0x200  }
.Ltmp0:
0x34: {  	[sflag:s5] =	ssyncset.done $0x0;
	(pc) =	sbr.rel @!p0 .LBB2_2-.Ltmp0, $4  }
0x35: {  	s21 =	sadd.s32 $0x1000, s21;
	[sflag:s5] =	ssyncadd.s32 $0xFFFFFE00  }
0x36: {  	[hbm4b:s21+s4] =	stream.linear.scatter [tilespmem:s9], [sflag:$0x3], $0x200, $0x38;
	[tilespmem:$0x600] =	vst v63  }
0x37: {  	_ =	swait.ge [sflag:s5], $0x200  }
0x38: {  	s22 =	sadd.s32 $0xFFFFFFFF, s22;
	[sflag:s5] =	ssyncset.done $0x0  }
.LBB2_1:
0x39: {  	p0 =	sne.s32 s22, $0x1;
	s22 =	sadd.s32 $0xFFFFFFFF, s22;
	[sflag:s5] =	ssyncadd.s32 $0xFFFFFE00  }
0x3a: {  	[tilespmem:s4], [sflag:$0x3] =	stream.linear.gather [hbm4b:s6+s4], $0x200, $0x38;
	[tilespmem:$0x600] =	vst v63  }
0x3b: {  	_ =	swait.ge [sflag:s5], $0x200  }
0x3c: {  	[sflag:s5] =	ssyncset.done $0x0  }
0x3d: {  	[sflag:s5] =	ssyncadd.s32 $0xFFFFFE00  }
0x3e: {  	[tilespmem:s8], [sflag:$0x1] =	stream.indirect.gather [hbm4b:s2+s7], $0x1, s4, s7, $0xb8;
	[tilespmem:$0x600] =	vst v63  }
0x3f: {  	_ = 	snop  }
0x40: {  	[tilespmem:s9], [sflag:$0x2] =	stream.indirect.gather [hbm4b:s3+s7], $0x1, s4, s7, $0xb8;
	[tilespmem:$0x600] =	vst v63  }
0x41: {  	_ = 	snop  }
0x42: {  	[tilespmem:s10], [sflag:$0x1] =	stream.indirect.gather [hbm4b:s2+s7], $0x1, s7, s7, $0xb8;
	[tilespmem:$0x600] =	vst v63  }
0x43: {  	_ = 	snop  }
0x44: {  	[tilespmem:s11], [sflag:$0x2] =	stream.indirect.gather [hbm4b:s3+s7], $0x1, s7, s7, $0xb8;
	[tilespmem:$0x600] =	vst v63  }
0x45: {  	_ = 	snop  }
0x46: {  	[tilespmem:s13], [sflag:$0x1] =	stream.indirect.gather [hbm4b:s2+s7], $0x1, s12, s7, $0xb8;
	[tilespmem:$0x600] =	vst v63  }
0x47: {  	_ = 	snop  }
0x48: {  	[tilespmem:s14], [sflag:$0x2] =	stream.indirect.gather [hbm4b:s3+s7], $0x1, s12, s7, $0xb8;
	[tilespmem:$0x600] =	vst v63  }
0x49: {  	_ = 	snop  }
0x4a: {  	[tilespmem:s16], [sflag:$0x1] =	stream.indirect.gather [hbm4b:s2+s7], $0x1, s15, s7, $0xb8;
	[tilespmem:$0x600] =	vst v63  }
0x4b: {  	_ = 	snop  }
0x4c: {  	[tilespmem:s17], [sflag:$0x2] =	stream.indirect.gather [hbm4b:s3+s7], $0x1, s15, s7, $0xb8;
	[tilespmem:$0x600] =	vst v63  }
0x4d: {  	_ =	swait.ge [sflag:s18], $0x80  }
0x4e: {  	[sflag:s18] =	ssyncset.done $0x0  }
0x4f: {  	[sflag:s18] =	ssyncadd.s32 $0xFFFFFF80  }
0x50: {  	_ =	swait.ge [sflag:s19], $0x80  }
0x51: {  	[sflag:s19] =	ssyncset.done $0x0  }
0x52: {  	[sflag:s19] =	ssyncadd.s32 $0xFFFFFF80  }
0x53: {  	_ =	swait.ge [sflag:s18], $0x80  }
0x54: {  	[sflag:s18] =	ssyncset.done $0x0  }
0x55: {  	[sflag:s18] =	ssyncadd.s32 $0xFFFFFF80  }
0x56: {  	_ =	swait.ge [sflag:s19], $0x80  }
0x57: {  	[sflag:s19] =	ssyncset.done $0x0  }
0x58: {  	[sflag:s19] =	ssyncadd.s32 $0xFFFFFF80  }
0x59: {  	_ =	swait.ge [sflag:s18], $0x80  }
0x5a: {  	[sflag:s18] =	ssyncset.done $0x0  }
0x5b: {  	[sflag:s18] =	ssyncadd.s32 $0xFFFFFF80  }
0x5c: {  	_ =	swait.ge [sflag:s19], $0x80  }
0x5d: {  	[sflag:s19] =	ssyncset.done $0x0  }
0x5e: {  	[sflag:s19] =	ssyncadd.s32 $0xFFFFFF80  }
0x5f: {  	_ =	swait.ge [sflag:s18], $0x80  }
0x60: {  	[sflag:s18] =	ssyncset.done $0x0  }
0x61: {  	[sflag:s18] =	ssyncadd.s32 $0xFFFFFF80  }
0x62: {  	_ =	swait.ge [sflag:s19], $0x80  }
0x63: {  	[sflag:s19] =	ssyncset.done $0x0  }
0x64: {  	[sflag:s19] =	ssyncadd.s32 $0xFFFFFF80  }
0x65: {  	[hbm4b:s20+s4] =	stream.linear.scatter [tilespmem:s8], [sflag:$0x3], $0x200, $0x38;
	[tilespmem:$0x600] =	vst v63  }
0x66: {  	_ =	swait.ge [sflag:s5], $0x200  }
.Ltmp1:
0x67: {  	[sflag:s5] =	ssyncset.done $0x0;
	(pc) =	sbr.rel @p0 .LBB2_1-.Ltmp1, $4  }
0x68: {  	[sflag:s5] =	ssyncadd.s32 $0xFFFFFE00  }
0x69: {  	[hbm4b:s21+s4] =	stream.linear.scatter [tilespmem:s9], [sflag:$0x3], $0x200, $0x38;
	[tilespmem:$0x600] =	vst v63  }
0x6a: {  	_ =	swait.ge [sflag:s5], $0x200  }
0x6b: {  	[sflag:s5] =	ssyncset.done $0x0  }
.LBB2_2:
0x6c: {  	[sflag:s5] =	ssyncadd.s32 $0xFFFFFE00  }
0x6d: {  	_ =	sfence.sel $0x180000  }
0x6e: {  	[bflag:$0x0] =	sbarrier.arrive $0xFFFF  }
0x6f: {  	p0 =	sne.s32 s0, $0x0;
	_ =	strace $0x90000047  }
0x70: {  	s0 =	sadd.s32 @!p0 $0x100000, s1;
	[bflag:$0x2] =	sbarrier.arrive $0xFFFF  }
0x71: {  	[sflag:s0] =	ssyncadd.tile.s32 @!p0 $0x1;
	_ =	shalt  }
.Lfunc_end2:
_tile_overlayer_lowered:
.L_overlay_start_2:
0x72: {  	(tag) =	ssettag $0x2  }
0x73: {  	s0 =	rddreg [dreg:$0x0];
	s2 =	stileid.u32  }
0x74: {  	s1 =	rddreg [dreg:$0x1];
	p0 =	sne.s32 s2, $0x0  }
0x75: {  	s3 =	rddreg [dreg:$0x2];
	[bflag:$0x3] =	sbarrier.arrive $0xFFFF;
	s2 =	simm.s32 @!p0 $0x1C03  }
0x76: {  	[timem:s3], [sflag:s2] =	dma.local @!p0 [hbm:s0], s1  }
0x77: {  	s0 =	simm.s32 @!p0 $0x3  }
0x78: {  	_ =	swait.ge @!p0 [sflag:s0], s1  }
0x79: {  	s1 =	ssub.s32 @!p0 $0x0, s1;
	[sflag:s0] =	ssyncset.done @!p0 $0x0  }
0x7a: {  	[sflag:s0] =	ssyncadd.s32 @!p0 s1  }
0x7b: {  	[bflag:$0x3] =	sbarrier.arrive $0xFFFF  }
0x7c: {  	_ =	shalt  }

</sc_bundles>
